<compile_context>
chip_gen: v7x
topology: tpu7x:2x2x1
jax: 0.10.2.dev20260603
libtpu: 0.0.44.dev20260713+nightly
codegen_flags: <defaults>
</compile_context>

<pallas_src>
import dataclasses

import jax
import jax.numpy as jnp
from jax import lax
from jax.experimental import pallas as pl
from jax.experimental.pallas import tpu as pltpu
from jax.experimental.pallas import tpu_sc as plsc
from jax._src.pallas import core as _pl_core

_GLOBAL_AVG = 3.5
_BATCH = 16384


def _on(mesh, mem_ref):
    return dataclasses.replace(
        mem_ref,
        memory_space=_pl_core.CoreMemorySpace(mem_ref.memory_space, mesh))


@jax.jit
def kernel(user_id, item_id, user_bias_score, item_bias_score):
    info = plsc.get_sparse_core_info()
    nc, ns, lanes = info.num_cores, info.num_subcores, info.num_lanes
    nw = nc * ns
    b_per_w = _BATCH // nw
    half = _BATCH // nc

    vmesh = plsc.VectorSubcoreMesh(core_axis_name="c", subcore_axis_name="s")
    smesh = plsc.ScalarSubcoreMesh(axis_name="c", num_cores=nc)

    def scs_fn(uid_hbm, iid_hbm, utab_hbm, itab_hbm, out_hbm,
               sidx_u, sidx_i, scs_sem_u, scs_sem_i, ready,
               uidx_v, iidx_v, uval_v, ival_v, sem_u, sem_i):
        c = lax.axis_index("c")
        cp_u = pltpu.async_copy(uid_hbm.at[pl.ds(c * half, half)], sidx_u,
                                scs_sem_u)
        cp_i = pltpu.async_copy(iid_hbm.at[pl.ds(c * half, half)], sidx_i,
                                scs_sem_i)
        cp_u.wait()
        cp_i.wait()
        for t in range(ns):
            pl.semaphore_signal(ready, 1, device_id={"s": t})

    def tec_fn(uid_hbm, iid_hbm, utab_hbm, itab_hbm, out_hbm,
               sidx_u, sidx_i, scs_sem_u, scs_sem_i, ready,
               uidx_v, iidx_v, uval_v, ival_v, sem_u, sem_i):
        c = lax.axis_index("c")
        s = lax.axis_index("s")
        base = c * half + s * b_per_w
        loc = pl.ds(s * b_per_w, b_per_w)

        pl.semaphore_wait(ready, 1)
        pltpu.sync_copy(sidx_u.at[loc], uidx_v)
        g_u = pltpu.async_copy(utab_hbm.at[uidx_v], uval_v, sem_u)
        pltpu.sync_copy(sidx_i.at[loc], iidx_v)
        g_i = pltpu.async_copy(itab_hbm.at[iidx_v], ival_v, sem_i)
        g_u.wait()
        g_i.wait()

        @pl.loop(0, b_per_w, step=lanes)
        def _(j):
            sl = pl.ds(j, lanes)
            uval_v[sl] = uval_v[sl] + ival_v[sl] + _GLOBAL_AVG

        pltpu.sync_copy(uval_v, out_hbm.at[pl.ds(base, b_per_w)])

    run = pl.kernel(
        body=[tec_fn, scs_fn],
        mesh=[vmesh, smesh],
        out_type=jax.ShapeDtypeStruct((_BATCH,), jnp.float32),
        scratch_types=[
            pltpu.VMEM_SHARED((half,), jnp.int32),
            pltpu.VMEM_SHARED((half,), jnp.int32),
            _on(smesh, pltpu.SemaphoreType.DMA(())),
            _on(smesh, pltpu.SemaphoreType.DMA(())),
            _on(vmesh, pltpu.SemaphoreType.REGULAR(())),
            _on(vmesh, pltpu.VMEM((b_per_w,), jnp.int32)),
            _on(vmesh, pltpu.VMEM((b_per_w,), jnp.int32)),
            _on(vmesh, pltpu.VMEM((b_per_w,), jnp.float32)),
            _on(vmesh, pltpu.VMEM((b_per_w,), jnp.float32)),
            _on(vmesh, pltpu.SemaphoreType.DMA(())),
            _on(vmesh, pltpu.SemaphoreType.DMA(())),
        ],
    )
    return run(user_id, item_id, user_bias_score, item_bias_score)

# --- scband reference (transcript-rebuilt; emitter-appended) ---
"""Pipeline reference for scband-add-bias-layer-59742995087827 (READ-ONLY COPY).

The authoritative reference and input builder live on the scoring server;
editing this copy changes nothing except your own understanding.
"""

import jax, jax.numpy as jnp
import numpy as np

GLOBAL_AVERAGE_SCORE = 3.5
USER_ID_SIZE = 1000000
ITEM_ID_SIZE = 1000000
BATCH = 16384


def setup_inputs(seed: int = 0) -> dict:
    key = jax.random.key(seed)
    k1, k2, k3, k4 = jax.random.split(key, 4)
    user_id = jax.random.randint(k1, (BATCH,), 0, USER_ID_SIZE, dtype=jnp.int64 if jax.config.jax_enable_x64 else jnp.int32).astype(jnp.int32)
    item_id = jax.random.randint(k2, (BATCH,), 0, ITEM_ID_SIZE, dtype=jnp.int64 if jax.config.jax_enable_x64 else jnp.int32).astype(jnp.int32)
    user_bias_score = jax.random.normal(k3, (USER_ID_SIZE,), dtype=jnp.float32) * 0.01
    item_bias_score = jax.random.normal(k4, (ITEM_ID_SIZE,), dtype=jnp.float32) * 0.01
    return {
        "user_id": user_id,
        "item_id": item_id,
        "user_bias_score": user_bias_score,
        "item_bias_score": item_bias_score,
    }


def reference(user_id, item_id, user_bias_score, item_bias_score):
    # tf.nn.embedding_lookup -> jnp.take along axis 0
    user_bias = jnp.take(user_bias_score, user_id, axis=0)
    item_bias = jnp.take(item_bias_score, item_id, axis=0)
    return GLOBAL_AVERAGE_SCORE + user_bias + item_bias

if __name__ == "__main__":
    import jax
    _d = setup_inputs()
    print(jax.jit(kernel)(*tuple(_d.values())))

</pallas_src>

<mosaic_0001>
#map = affine_map<(d0, d1) -> (0)>
#map1 = affine_map<(d0) -> (0)>
module attributes {stable_mosaic.version = 14 : i64} {
  func.func @tec_fn(%arg0: i32, %arg1: i32, %arg2: memref<16384xi32, #tpu.memory_space<hbm>>, %arg3: memref<16384xi32, #tpu.memory_space<hbm>>, %arg4: memref<1000000xf32, #tpu.memory_space<hbm>>, %arg5: memref<1000000xf32, #tpu.memory_space<hbm>>, %arg6: memref<16384xf32, #tpu.memory_space<hbm>>, %arg7: memref<8192xi32, #tpu.memory_space<vmem_shared>>, %arg8: memref<8192xi32, #tpu.memory_space<vmem_shared>>, %arg9: memref<!tpu.dma_semaphore, #tpu.memory_space<semaphore_mem, sc_scalar_subcore>>, %arg10: memref<!tpu.dma_semaphore, #tpu.memory_space<semaphore_mem, sc_scalar_subcore>>, %arg11: memref<!tpu.semaphore, #tpu.memory_space<semaphore_mem>>, %arg12: memref<512xi32, #tpu.memory_space<vmem>>, %arg13: memref<512xi32, #tpu.memory_space<vmem>>, %arg14: memref<512xf32, #tpu.memory_space<vmem>>, %arg15: memref<512xf32, #tpu.memory_space<vmem>>, %arg16: memref<!tpu.dma_semaphore, #tpu.memory_space<semaphore_mem>>, %arg17: memref<!tpu.dma_semaphore, #tpu.memory_space<semaphore_mem>>) attributes {dimension_semantics = [#tpu.dimension_semantics<core_parallel>, #tpu.dimension_semantics<subcore_parallel>], iteration_bounds = array<i64: 2, 16>, scalar_prefetch = 0 : i64, scratch_operands = 11 : i64, tpu.core_type = #tpu.core_type<sc_vector_subcore>, window_params = [{transform_indices = #map}, {transform_indices = #map}, {transform_indices = #map}, {transform_indices = #map}, {transform_indices = #map}]} {
    %mul3A = arith.constant 8192 : i32
    %mul3A_0 = arith.muli %arg0, %mul3A : i32
    %mul3A_1 = arith.constant 512 : i32
    %mul3A_2 = arith.muli %arg1, %mul3A_1 : i32
    %add3A = arith.addi %mul3A_0, %mul3A_2 : i32
    %mul3A_3 = arith.constant 512 : i32
    %mul3A_4 = arith.muli %arg1, %mul3A_3 : i32
    %semaphore_wait3A = arith.constant 1 : i32
    %semaphore_wait3A_5 = arith.constant true
    tpu.sem_wait %arg11, %semaphore_wait3A : memref<!tpu.semaphore, #tpu.memory_space<semaphore_mem>>
    "tpu.region"() ({
      %run_scoped3A = tpu.sem_alloc : memref<!tpu.dma_semaphore, #tpu.memory_space<semaphore_mem>>
      %dma_start3A_16 = tpu.memref_slice %arg7[%mul3A_4] : memref<8192xi32, #tpu.memory_space<vmem_shared>> -> memref<512xi32, #tpu.memory_space<vmem_shared>>
      %dma_start3A_17 = tpu.memref_slice %arg7[%mul3A_4] : memref<8192xi32, #tpu.memory_space<vmem_shared>> -> memref<512xi32, #tpu.memory_space<vmem_shared>>
      tpu.enqueue_dma source(%dma_start3A_17 : memref<512xi32, #tpu.memory_space<vmem_shared>>) target(%arg12 : memref<512xi32, #tpu.memory_space<vmem>>) target_semaphore(%run_scoped3A : memref<!tpu.dma_semaphore, #tpu.memory_space<semaphore_mem>>)
      %dma_wait3A_18 = tpu.memref_slice %arg7[%mul3A_4] : memref<8192xi32, #tpu.memory_space<vmem_shared>> -> memref<512xi32, #tpu.memory_space<vmem_shared>>
      %dma_wait3A_19 = tpu.memref_slice %arg7[%mul3A_4] : memref<8192xi32, #tpu.memory_space<vmem_shared>> -> memref<512xi32, #tpu.memory_space<vmem_shared>>
      tpu.wait_dma2 semaphore(%run_scoped3A : memref<!tpu.dma_semaphore, #tpu.memory_space<semaphore_mem>>) src(%dma_wait3A_19 : memref<512xi32, #tpu.memory_space<vmem_shared>>) dst(%arg12 : memref<512xi32, #tpu.memory_space<vmem>>)
      tpu.yield
    }) : () -> ()
    %dma_start3A = arith.constant 0 : i32
    %dma_start3A_6 = tpu.memref_slice %arg4[%dma_start3A] : memref<1000000xf32, #tpu.memory_space<hbm>> -> memref<1000000xf32, #tpu.memory_space<hbm>>
    tpu.enqueue_indirect_dma source(%dma_start3A_6 : memref<1000000xf32, #tpu.memory_space<hbm>>) target(%arg14 : memref<512xf32, #tpu.memory_space<vmem>>) offsets(%arg12 : memref<512xi32, #tpu.memory_space<vmem>>) semaphore(%arg16 : memref<!tpu.dma_semaphore, #tpu.memory_space<semaphore_mem>>)
    "tpu.region"() ({
      %run_scoped3A = tpu.sem_alloc : memref<!tpu.dma_semaphore, #tpu.memory_space<semaphore_mem>>
      %dma_start3A_16 = tpu.memref_slice %arg8[%mul3A_4] : memref<8192xi32, #tpu.memory_space<vmem_shared>> -> memref<512xi32, #tpu.memory_space<vmem_shared>>
      %dma_start3A_17 = tpu.memref_slice %arg8[%mul3A_4] : memref<8192xi32, #tpu.memory_space<vmem_shared>> -> memref<512xi32, #tpu.memory_space<vmem_shared>>
      tpu.enqueue_dma source(%dma_start3A_17 : memref<512xi32, #tpu.memory_space<vmem_shared>>) target(%arg13 : memref<512xi32, #tpu.memory_space<vmem>>) target_semaphore(%run_scoped3A : memref<!tpu.dma_semaphore, #tpu.memory_space<semaphore_mem>>)
      %dma_wait3A_18 = tpu.memref_slice %arg8[%mul3A_4] : memref<8192xi32, #tpu.memory_space<vmem_shared>> -> memref<512xi32, #tpu.memory_space<vmem_shared>>
      %dma_wait3A_19 = tpu.memref_slice %arg8[%mul3A_4] : memref<8192xi32, #tpu.memory_space<vmem_shared>> -> memref<512xi32, #tpu.memory_space<vmem_shared>>
      tpu.wait_dma2 semaphore(%run_scoped3A : memref<!tpu.dma_semaphore, #tpu.memory_space<semaphore_mem>>) src(%dma_wait3A_19 : memref<512xi32, #tpu.memory_space<vmem_shared>>) dst(%arg13 : memref<512xi32, #tpu.memory_space<vmem>>)
      tpu.yield
    }) : () -> ()
    %dma_start3A_7 = arith.constant 0 : i32
    %dma_start3A_8 = tpu.memref_slice %arg5[%dma_start3A_7] : memref<1000000xf32, #tpu.memory_space<hbm>> -> memref<1000000xf32, #tpu.memory_space<hbm>>
    tpu.enqueue_indirect_dma source(%dma_start3A_8 : memref<1000000xf32, #tpu.memory_space<hbm>>) target(%arg15 : memref<512xf32, #tpu.memory_space<vmem>>) offsets(%arg13 : memref<512xi32, #tpu.memory_space<vmem>>) semaphore(%arg17 : memref<!tpu.dma_semaphore, #tpu.memory_space<semaphore_mem>>)
    %dma_wait3A = arith.constant 0 : i32
    %dma_wait3A_9 = tpu.memref_slice %arg4[%dma_wait3A] : memref<1000000xf32, #tpu.memory_space<hbm>> -> memref<1000000xf32, #tpu.memory_space<hbm>>
    tpu.wait_indirect_dma semaphore(%arg16 : memref<!tpu.dma_semaphore, #tpu.memory_space<semaphore_mem>>) src(%dma_wait3A_9 : memref<1000000xf32, #tpu.memory_space<hbm>>) dst(%arg14 : memref<512xf32, #tpu.memory_space<vmem>>)
    %dma_wait3A_10 = arith.constant 0 : i32
    %dma_wait3A_11 = tpu.memref_slice %arg5[%dma_wait3A_10] : memref<1000000xf32, #tpu.memory_space<hbm>> -> memref<1000000xf32, #tpu.memory_space<hbm>>
    tpu.wait_indirect_dma semaphore(%arg17 : memref<!tpu.dma_semaphore, #tpu.memory_space<semaphore_mem>>) src(%dma_wait3A_11 : memref<1000000xf32, #tpu.memory_space<hbm>>) dst(%arg15 : memref<512xf32, #tpu.memory_space<vmem>>)
    %scan3A = arith.constant 0 : i32
    %scan3A_12 = arith.constant 32 : i32
    %scan3A_13 = arith.addi %scan3A, %scan3A_12 : i32
    %scan3A_14 = arith.constant 1 : i32
    scf.for %scan3A_16 = %scan3A to %scan3A_13 step %scan3A_14  : i32 {
      %mul3A_17 = arith.constant 16 : i32
      %mul3A_18 = arith.muli %scan3A_16, %mul3A_17 : i32
      %add3A_19 = arith.constant 0 : i32
      %add3A_20 = arith.addi %add3A_19, %mul3A_18 : i32
      %get3A = arith.index_cast %add3A_20 : i32 to index
      %get3A_21 = tpu.vector_load %arg14[%get3A] {strides = array<i32>} : memref<512xf32, #tpu.memory_space<vmem>>, vector<16xf32>,
      %get3A_22 = vector.shape_cast %get3A_21 : vector<16xf32> to vector<16xf32>
      %get3A_23 = arith.index_cast %add3A_20 : i32 to index
      %get3A_24 = tpu.vector_load %arg15[%get3A_23] {strides = array<i32>} : memref<512xf32, #tpu.memory_space<vmem>>, vector<16xf32>,
      %get3A_25 = vector.shape_cast %get3A_24 : vector<16xf32> to vector<16xf32>
      %add3A_26 = arith.addf %get3A_22, %get3A_25 : vector<16xf32>
      %add3A_27 = arith.constant 3.500000e+00 : f32
      %add3A_28 = vector.broadcast %add3A_27 : f32 to vector<16xf32>
      %add3A_29 = arith.addf %add3A_26, %add3A_28 : vector<16xf32>
      %swap3A = arith.index_cast %add3A_20 : i32 to index
      %swap3A_30 = tpu.vector_load %arg14[%swap3A] {strides = array<i32>} : memref<512xf32, #tpu.memory_space<vmem>>, vector<16xf32>,
      %swap3A_31 = vector.shape_cast %swap3A_30 : vector<16xf32> to vector<16xf32>
      %swap3A_32 = vector.shape_cast %add3A_29 : vector<16xf32> to vector<16xf32>
      tpu.vector_store %arg14[%swap3A], %swap3A_32 {strides = array<i32>} : memref<512xf32, #tpu.memory_space<vmem>>, vector<16xf32>,
    }
    %scan3A_15 = arith.constant 32 : i32
    "tpu.region"() ({
      %run_scoped3A = tpu.sem_alloc : memref<!tpu.dma_semaphore, #tpu.memory_space<semaphore_mem>>
      %dma_start3A_16 = tpu.memref_slice %arg6[%add3A] : memref<16384xf32, #tpu.memory_space<hbm>> -> memref<512xf32, #tpu.memory_space<hbm>>
      %dma_start3A_17 = tpu.memref_slice %arg6[%add3A] : memref<16384xf32, #tpu.memory_space<hbm>> -> memref<512xf32, #tpu.memory_space<hbm>>
      tpu.enqueue_dma source(%arg14 : memref<512xf32, #tpu.memory_space<vmem>>) target(%dma_start3A_17 : memref<512xf32, #tpu.memory_space<hbm>>) target_semaphore(%run_scoped3A : memref<!tpu.dma_semaphore, #tpu.memory_space<semaphore_mem>>)
      %dma_wait3A_18 = tpu.memref_slice %arg6[%add3A] : memref<16384xf32, #tpu.memory_space<hbm>> -> memref<512xf32, #tpu.memory_space<hbm>>
      %dma_wait3A_19 = tpu.memref_slice %arg6[%add3A] : memref<16384xf32, #tpu.memory_space<hbm>> -> memref<512xf32, #tpu.memory_space<hbm>>
      tpu.wait_dma2 semaphore(%run_scoped3A : memref<!tpu.dma_semaphore, #tpu.memory_space<semaphore_mem>>) src(%arg14 : memref<512xf32, #tpu.memory_space<vmem>>) dst(%dma_wait3A_19 : memref<512xf32, #tpu.memory_space<hbm>>)
      tpu.yield
    }) : () -> ()
    return
  }
  func.func @scs_fn(%arg0: i32, %arg1: memref<16384xi32, #tpu.memory_space<hbm>>, %arg2: memref<16384xi32, #tpu.memory_space<hbm>>, %arg3: memref<1000000xf32, #tpu.memory_space<hbm>>, %arg4: memref<1000000xf32, #tpu.memory_space<hbm>>, %arg5: memref<16384xf32, #tpu.memory_space<hbm>>, %arg6: memref<8192xi32, #tpu.memory_space<vmem_shared>>, %arg7: memref<8192xi32, #tpu.memory_space<vmem_shared>>, %arg8: memref<!tpu.dma_semaphore, #tpu.memory_space<semaphore_mem>>, %arg9: memref<!tpu.dma_semaphore, #tpu.memory_space<semaphore_mem>>, %arg10: memref<!tpu.semaphore, #tpu.memory_space<semaphore_mem, sc_vector_subcore>>, %arg11: memref<512xi32, #tpu.memory_space<vmem, sc_vector_subcore>>, %arg12: memref<512xi32, #tpu.memory_space<vmem, sc_vector_subcore>>, %arg13: memref<512xf32, #tpu.memory_space<vmem, sc_vector_subcore>>, %arg14: memref<512xf32, #tpu.memory_space<vmem, sc_vector_subcore>>, %arg15: memref<!tpu.dma_semaphore, #tpu.memory_space<semaphore_mem, sc_vector_subcore>>, %arg16: memref<!tpu.dma_semaphore, #tpu.memory_space<semaphore_mem, sc_vector_subcore>>) attributes {dimension_semantics = [#tpu.dimension_semantics<core_parallel>], iteration_bounds = array<i64: 2>, scalar_prefetch = 0 : i64, scratch_operands = 11 : i64, tpu.core_type = #tpu.core_type<sc_scalar_subcore>, window_params = [{transform_indices = #map1}, {transform_indices = #map1}, {transform_indices = #map1}, {transform_indices = #map1}, {transform_indices = #map1}]} {
    %mul3A = arith.constant 8192 : i32
    %mul3A_0 = arith.muli %arg0, %mul3A : i32
    %dma_start3A = tpu.memref_slice %arg1[%mul3A_0] : memref<16384xi32, #tpu.memory_space<hbm>> -> memref<8192xi32, #tpu.memory_space<hbm>>
    tpu.enqueue_dma source(%dma_start3A : memref<8192xi32, #tpu.memory_space<hbm>>) target(%arg6 : memref<8192xi32, #tpu.memory_space<vmem_shared>>) target_semaphore(%arg8 : memref<!tpu.dma_semaphore, #tpu.memory_space<semaphore_mem>>)
    %mul3A_1 = arith.constant 8192 : i32
    %mul3A_2 = arith.muli %arg0, %mul3A_1 : i32
    %dma_start3A_3 = tpu.memref_slice %arg2[%mul3A_2] : memref<16384xi32, #tpu.memory_space<hbm>> -> memref<8192xi32, #tpu.memory_space<hbm>>
    tpu.enqueue_dma source(%dma_start3A_3 : memref<8192xi32, #tpu.memory_space<hbm>>) target(%arg7 : memref<8192xi32, #tpu.memory_space<vmem_shared>>) target_semaphore(%arg9 : memref<!tpu.dma_semaphore, #tpu.memory_space<semaphore_mem>>)
    %dma_wait3A = tpu.memref_slice %arg1[%mul3A_0] : memref<16384xi32, #tpu.memory_space<hbm>> -> memref<8192xi32, #tpu.memory_space<hbm>>
    tpu.wait_dma2 semaphore(%arg8 : memref<!tpu.dma_semaphore, #tpu.memory_space<semaphore_mem>>) src(%dma_wait3A : memref<8192xi32, #tpu.memory_space<hbm>>) dst(%arg6 : memref<8192xi32, #tpu.memory_space<vmem_shared>>)
    %dma_wait3A_4 = tpu.memref_slice %arg2[%mul3A_2] : memref<16384xi32, #tpu.memory_space<hbm>> -> memref<8192xi32, #tpu.memory_space<hbm>>
    tpu.wait_dma2 semaphore(%arg9 : memref<!tpu.dma_semaphore, #tpu.memory_space<semaphore_mem>>) src(%dma_wait3A_4 : memref<8192xi32, #tpu.memory_space<hbm>>) dst(%arg7 : memref<8192xi32, #tpu.memory_space<vmem_shared>>)
    %semaphore_signal3A = arith.constant 1 : i32
    %semaphore_signal3A_5 = arith.constant 0 : i32
    tpu.sem_signal %arg10, %semaphore_signal3A core_id %arg0 subcore_id %semaphore_signal3A_5 : memref<!tpu.semaphore, #tpu.memory_space<semaphore_mem, sc_vector_subcore>>
    %semaphore_signal3A_6 = arith.constant 1 : i32
    %semaphore_signal3A_7 = arith.constant 1 : i32
    tpu.sem_signal %arg10, %semaphore_signal3A_6 core_id %arg0 subcore_id %semaphore_signal3A_7 : memref<!tpu.semaphore, #tpu.memory_space<semaphore_mem, sc_vector_subcore>>
    %semaphore_signal3A_8 = arith.constant 1 : i32
    %semaphore_signal3A_9 = arith.constant 2 : i32
    tpu.sem_signal %arg10, %semaphore_signal3A_8 core_id %arg0 subcore_id %semaphore_signal3A_9 : memref<!tpu.semaphore, #tpu.memory_space<semaphore_mem, sc_vector_subcore>>
    %semaphore_signal3A_10 = arith.constant 1 : i32
    %semaphore_signal3A_11 = arith.constant 3 : i32
    tpu.sem_signal %arg10, %semaphore_signal3A_10 core_id %arg0 subcore_id %semaphore_signal3A_11 : memref<!tpu.semaphore, #tpu.memory_space<semaphore_mem, sc_vector_subcore>>
    %semaphore_signal3A_12 = arith.constant 1 : i32
    %semaphore_signal3A_13 = arith.constant 4 : i32
    tpu.sem_signal %arg10, %semaphore_signal3A_12 core_id %arg0 subcore_id %semaphore_signal3A_13 : memref<!tpu.semaphore, #tpu.memory_space<semaphore_mem, sc_vector_subcore>>
    %semaphore_signal3A_14 = arith.constant 1 : i32
    %semaphore_signal3A_15 = arith.constant 5 : i32
    tpu.sem_signal %arg10, %semaphore_signal3A_14 core_id %arg0 subcore_id %semaphore_signal3A_15 : memref<!tpu.semaphore, #tpu.memory_space<semaphore_mem, sc_vector_subcore>>
    %semaphore_signal3A_16 = arith.constant 1 : i32
    %semaphore_signal3A_17 = arith.constant 6 : i32
    tpu.sem_signal %arg10, %semaphore_signal3A_16 core_id %arg0 subcore_id %semaphore_signal3A_17 : memref<!tpu.semaphore, #tpu.memory_space<semaphore_mem, sc_vector_subcore>>
    %semaphore_signal3A_18 = arith.constant 1 : i32
    %semaphore_signal3A_19 = arith.constant 7 : i32
    tpu.sem_signal %arg10, %semaphore_signal3A_18 core_id %arg0 subcore_id %semaphore_signal3A_19 : memref<!tpu.semaphore, #tpu.memory_space<semaphore_mem, sc_vector_subcore>>
    %semaphore_signal3A_20 = arith.constant 1 : i32
    %semaphore_signal3A_21 = arith.constant 8 : i32
    tpu.sem_signal %arg10, %semaphore_signal3A_20 core_id %arg0 subcore_id %semaphore_signal3A_21 : memref<!tpu.semaphore, #tpu.memory_space<semaphore_mem, sc_vector_subcore>>
    %semaphore_signal3A_22 = arith.constant 1 : i32
    %semaphore_signal3A_23 = arith.constant 9 : i32
    tpu.sem_signal %arg10, %semaphore_signal3A_22 core_id %arg0 subcore_id %semaphore_signal3A_23 : memref<!tpu.semaphore, #tpu.memory_space<semaphore_mem, sc_vector_subcore>>
    %semaphore_signal3A_24 = arith.constant 1 : i32
    %semaphore_signal3A_25 = arith.constant 10 : i32
    tpu.sem_signal %arg10, %semaphore_signal3A_24 core_id %arg0 subcore_id %semaphore_signal3A_25 : memref<!tpu.semaphore, #tpu.memory_space<semaphore_mem, sc_vector_subcore>>
    %semaphore_signal3A_26 = arith.constant 1 : i32
    %semaphore_signal3A_27 = arith.constant 11 : i32
    tpu.sem_signal %arg10, %semaphore_signal3A_26 core_id %arg0 subcore_id %semaphore_signal3A_27 : memref<!tpu.semaphore, #tpu.memory_space<semaphore_mem, sc_vector_subcore>>
    %semaphore_signal3A_28 = arith.constant 1 : i32
    %semaphore_signal3A_29 = arith.constant 12 : i32
    tpu.sem_signal %arg10, %semaphore_signal3A_28 core_id %arg0 subcore_id %semaphore_signal3A_29 : memref<!tpu.semaphore, #tpu.memory_space<semaphore_mem, sc_vector_subcore>>
    %semaphore_signal3A_30 = arith.constant 1 : i32
    %semaphore_signal3A_31 = arith.constant 13 : i32
    tpu.sem_signal %arg10, %semaphore_signal3A_30 core_id %arg0 subcore_id %semaphore_signal3A_31 : memref<!tpu.semaphore, #tpu.memory_space<semaphore_mem, sc_vector_subcore>>
    %semaphore_signal3A_32 = arith.constant 1 : i32
    %semaphore_signal3A_33 = arith.constant 14 : i32
    tpu.sem_signal %arg10, %semaphore_signal3A_32 core_id %arg0 subcore_id %semaphore_signal3A_33 : memref<!tpu.semaphore, #tpu.memory_space<semaphore_mem, sc_vector_subcore>>
    %semaphore_signal3A_34 = arith.constant 1 : i32
    %semaphore_signal3A_35 = arith.constant 15 : i32
    tpu.sem_signal %arg10, %semaphore_signal3A_34 core_id %arg0 subcore_id %semaphore_signal3A_35 : memref<!tpu.semaphore, #tpu.memory_space<semaphore_mem, sc_vector_subcore>>
    return
  }
}

</mosaic_0001>

<sc_bundles>
// kernel: kernel.3.cloned.1.call-start
scs
__scs_entry_jumppad:
0x0: {  	(pc) =	sbr.rel $0x88, $3  }
0x1: {  	(tag) =	ssettag $0x0;
	lr =	simm.s32 $0x1  }
0x2: {  	[smem:$0x3F9D] =	sst lr;
	_ =	strace $0xD0000000  }
0x3: {  	_ = 	snop  }
0x4: {  	_ = 	snop  }
0x5: {  	_ = 	snop  }
0x6: {  	_ = 	snop  }
0x7: {  	_ = 	snop  }
__scs_overlays_trampoline_lowered:
0x8: {  	[smem:$0x3FAC] =	sst s0  }
0x9: {  	[smem:$0x3FAD] =	sst s1  }
0xa: {  	[smem:$0x3FAE] =	sst s2  }
0xb: {  	[smem:$0x3FAF] =	sst s3  }
0xc: {  	[smem:$0x3FB0] =	sst s4  }
0xd: {  	[smem:$0x3FB1] =	sst s5  }
0xe: {  	[smem:$0x3FB2] =	sst s6  }
0xf: {  	[smem:$0x3FB3] =	sst s7  }
0x10: {  	[smem:$0x3FB4] =	sst s8  }
0x11: {  	[smem:$0x3FB5] =	sst s9;
	s0 =	simm.s32 @!p0 $0x0  }
0x12: {  	s1 =	sld [smem:$0x3F9B];
	s0 =	simm.s32 @p0 $0x1  }
0x13: {  	[smem:$0x3FB6] =	sst s0;
	s0 =	simm.s32 @!p1 $0x0  }
0x14: {  	s2 =	sld [smem:$0x3F9A];
	s0 =	simm.s32 @p1 $0x1  }
0x15: {  	[smem:$0x3FB7] =	sst s0;
	s0 =	simm.s32 @!p2 $0x0  }
0x16: {  	s3 =	sld [smem:$0x3FDB];
	s0 =	simm.s32 @p2 $0x1  }
0x17: {  	s4 =	simm.s32 $0x1BF5;
	[smem:$0x3FB9] =	sst s0  }
0x18: {  	s0 =	sld [smem:$0x3F9C];
	_ =	swait.ge [sflag:s4], $0x0  }
0x19: {  	s7 =	sld [smem:$0x3F9D]  }
0x1a: {  	s8 =	sadd.s32 $0xFFFFE003, lr  }
0x1b: {  	s9 =	sadd.s32 $0xFFFFFEF7, lr;
	s5 =	simm.s32 $0xFFFFFFFF;
	p2 =	slt.u32 s8, $0xFFFFF086  }
0x1c: {  	p1 =	slt.u32 s9, $0xF7A;
	s5 =	simm.s32 @!p2 $0x0  }
0x1d: {  	s5 =	simm.s32 @p1 $0x1;
	p0 =	seq.s32 s7, s2  }
0x1e: {  	s7 =	smul.u32 @!p0 $0xF7A, s2;
	p2 =	seq.s32 @!p0 s5, $0x0  }
0x1f: {  	s9 =	smul.u32 $0xF7A, s1;
	s8 =	simm.s32 @!p0 $0x1BF5;
	p2 =	por !p2, p0  }
0x20: {  	[sflag:s8] =	ssyncset.s32 @!p0 $0xFFFFF086;
	s6 =	sadd.s32 @!p0 s3, s7;
	s7 =	simm.s32 @!p0 $0x108  }
0x21: {  	s3 =	sadd.s32 s3, s9;
	s6 =	sadd.s32 @!p0 $0x88, s6;
	s7 =	simm.s32 @p2 $0x1082  }
0x22: {  	[simem:s7], [sflag:s8] =	dma.local @!p0 [hbm:s6], $0xF7A  }
0x23: {  	s9 =	sor.u32 $0xD0000000, s2;
	s6 =	simm.s32 $0x108;
	_ =	swait.ge @!p0 [sflag:s8], $0x0  }
0x24: {  	s3 =	sadd.s32 $0x88, s3;
	s6 =	simm.s32 @!p1 $0x1082;
	[sflag:s4] =	ssyncset.s32 $0xFFFFF086  }
0x25: {  	[simem:s6], [sflag:s4] =	dma.local [hbm:s3], $0xF7A  }
0x26: {  	[smem:$0x3F9D] =	sst s1;
	(tag) =	ssettag s2;
	_ =	strace s9  }
0x27: {  	s1 =	sld [smem:$0x3FAD]  }
0x28: {  	s2 =	sld [smem:$0x3FAE]  }
0x29: {  	s4 =	sld [smem:$0x3FB0]  }
0x2a: {  	p0 =	seq.s32 s5, $0x0;
	s5 =	sld [smem:$0x3FB1]  }
0x2b: {  	s6 =	sld [smem:$0x3FB2]  }
0x2c: {  	s7 =	sld [smem:$0x3FB3]  }
0x2d: {  	s3 =	simm.s32 $0x108;
	s8 =	sld [smem:$0x3FB4]  }
0x2e: {  	s3 =	simm.s32 @!p0 $0x1082;
	s9 =	sld [smem:$0x3FB5]  }
0x2f: {  	lr =	sadd.s32 s0, s3;
	s0 =	sld [smem:$0x3FAC]  }
0x30: {  	s3 =	sld [smem:$0x3FAF]  }
0x31: {  	[smem:$0x3FB8] =	sst s10  }
0x32: {  	s10 =	sld [smem:$0x3FB6];
	_ =	sdelay $0x3  }
0x33: {  	p0 =	seq.s32 s10, $0x1;
	s10 =	sld [smem:$0x3FB8];
	_ =	sdelay $0x3  }
0x34: {  	[smem:$0x3FB8] =	sst s10  }
0x35: {  	s10 =	sld [smem:$0x3FB7];
	_ =	sdelay $0x3  }
0x36: {  	p1 =	seq.s32 s10, $0x1;
	s10 =	sld [smem:$0x3FB8];
	_ =	sdelay $0x3  }
0x37: {  	[smem:$0x3FB8] =	sst s10  }
0x38: {  	s10 =	sld [smem:$0x3FB9]  }
0x39: {  	_ = 	snop;
	(pc) =	sbr.ind lr, $3  }
0x3a: {  	_ = 	snop  }
0x3b: {  	_ = 	snop  }
0x3c: {  	p2 =	seq.s32 s10, $0x1;
	s10 =	sld [smem:$0x3FB8]  }
0x3d: {  	_ =	shalt  }
0x3e: {  	_ =	shalt  }
0x3f: {  	_ =	shalt  }
0x40: {  	_ =	shalt  }
0x41: {  	_ =	shalt  }
0x42: {  	_ =	shalt  }
0x43: {  	_ =	shalt  }
0x44: {  	_ =	shalt  }
0x45: {  	_ =	shalt  }
0x46: {  	_ =	shalt  }
0x47: {  	_ =	shalt  }
0x48: {  	_ =	shalt  }
0x49: {  	_ =	shalt  }
0x4a: {  	_ =	shalt  }
0x4b: {  	_ =	shalt  }
0x4c: {  	_ =	shalt  }
0x4d: {  	_ =	shalt  }
0x4e: {  	_ =	shalt  }
0x4f: {  	_ =	shalt  }
0x50: {  	_ =	shalt  }
0x51: {  	_ =	shalt  }
0x52: {  	_ =	shalt  }
0x53: {  	_ =	shalt  }
0x54: {  	_ =	shalt  }
0x55: {  	_ =	shalt  }
0x56: {  	_ =	shalt  }
0x57: {  	_ =	shalt  }
0x58: {  	_ =	shalt  }
0x59: {  	_ =	shalt  }
0x5a: {  	_ =	shalt  }
0x5b: {  	_ =	shalt  }
0x5c: {  	_ =	shalt  }
0x5d: {  	_ =	shalt  }
0x5e: {  	_ =	shalt  }
0x5f: {  	_ =	shalt  }
0x60: {  	_ =	shalt  }
0x61: {  	_ =	shalt  }
0x62: {  	_ =	shalt  }
0x63: {  	_ =	shalt  }
0x64: {  	_ =	shalt  }
0x65: {  	_ =	shalt  }
0x66: {  	_ =	shalt  }
0x67: {  	_ =	shalt  }
0x68: {  	_ =	shalt  }
0x69: {  	_ =	shalt  }
0x6a: {  	_ =	shalt  }
0x6b: {  	_ =	shalt  }
0x6c: {  	_ =	shalt  }
0x6d: {  	_ =	shalt  }
0x6e: {  	_ =	shalt  }
0x6f: {  	_ =	shalt  }
0x70: {  	_ =	shalt  }
0x71: {  	_ =	shalt  }
0x72: {  	_ =	shalt  }
0x73: {  	_ =	shalt  }
0x74: {  	_ =	shalt  }
0x75: {  	_ =	shalt  }
0x76: {  	_ =	shalt  }
0x77: {  	_ =	shalt  }
0x78: {  	_ =	shalt  }
0x79: {  	_ =	shalt  }
0x7a: {  	_ =	shalt  }
0x7b: {  	_ =	shalt  }
0x7c: {  	_ =	shalt  }
0x7d: {  	_ =	shalt  }
0x7e: {  	_ =	shalt  }
0x7f: {  	_ =	shalt  }
0x80: {  	_ =	shalt  }
0x81: {  	_ =	shalt  }
0x82: {  	_ =	shalt  }
0x83: {  	_ =	shalt  }
0x84: {  	_ =	shalt  }
0x85: {  	_ =	shalt  }
0x86: {  	_ =	shalt  }
0x87: {  	_ =	shalt  }
.Lfunc_end0:
.L_simem_size_0:
called_computation_lowered:
.L_overlay_start_0:
0x88: {  	s2 =	sld [smem:$0x3FD9]  }
0x89: {  	s3 =	sld [smem:$0x3FFE];
	_ =	sdelay $0x1  }
0x8a: {  	s1 =	srdreg.scid  }
0x8b: {  	s0 =	sand.u32 $0x1, s1  }
0x8c: {  	s24 =	sshll.u32 s0, $0xA;
	s2 =	sadd.s32 s3, s2  }
0x8d: {  	s2 =	sadd.s32 s2, s24  }
0x8e: {  	[smem:$0x3FC4] =	sst s2  }
0x8f: {  	_ = 	snop  }
0x90: {  	s4 =	sld [smem:$0x3FC9]  }
0x91: {  	s5 =	sld [smem:$0x3FC8]  }
0x92: {  	s6 =	sld [smem:$0x3FC7]  }
0x93: {  	s2 =	simm.s32 $0x0;
	s7 =	sld [smem:$0x3FC6]  }
0x94: {  	[smem:$0xF] =	sst s2  }
0x95: {  	s8 =	sld [smem:$0x3FD0];
	(tm) =	ssettm $0x1  }
0x96: {  	s9 =	sld [smem:$0x3FFB];
	_ =	sdelay $0x3  }
0x97: {  	_ =	strace s9  }
0x98: {  	s9 =	sld [smem:$0x3FFC];
	_ =	sdelay $0x3  }
0x99: {  	_ =	strace s9  }
0x9a: {  	s9 =	sld [smem:$0x3FFD];
	_ =	sdelay $0x3  }
0x9b: {  	_ =	strace s9  }
0x9c: {  	_ =	strace $0x8FFFFFFF  }
0x9d: {  	s25 =	sld [smem:$0x3FDB];
	_ =	sdelay $0x2  }
0x9e: {  	s10 =	simm.s32 $_scs_section_size;
	s11 =	simm.s32 $_tile_overlayer_lowered  }
0x9f: {  	s26 =	simm.s32 $_size__tile_overlayer_lowered;
	s11 =	sshll.u32 s11, $0x1;
	s9 =	sadd.s32 s10, s25  }
0xa0: {  	s12 =	simm.s32 $0x1BFF;
	s10 =	sshll.u32 s26, $0x1;
	s11 =	sadd.s32 s11, s9  }
0xa1: {  	[timem:s2], [sflag:s12] =	dma.local [hbm:s11], s10  }
0xa2: {  	_ =	swait.ge [sflag:s12], s10  }
0xa3: {  	s10 =	ssub.s32 $0x0, s10;
	[sflag:s12] =	ssyncset.done $0x0  }
0xa4: {  	[sflag:s12] =	ssyncadd.s32 s10;
	_ =	sdelay $0x1  }
0xa5: {  	s28 =	simm.s32 $0x1B8B  }
0xa6: {  	_ =	swait.ge [sflag:s28], $0x1  }
0xa7: {  	[sflag:s28] =	ssyncset.done $0x0  }
0xa8: {  	s29 =	simm.s32 $0x1B8E;
	[sflag:s28] =	ssyncadd.s32 $0xFFFFFFFF  }
0xa9: {  	s30 =	simm.s32 $execute0_lowered;
	[smem:$0x3FD2] =	sst s29  }
0xaa: {  	s10 =	sshll.u32 s30, $0x1;
	_ =	strace $0x80000046;
	[dreg:$0x1] =	wrdreg $0xFFFFFFFF  }
0xab: {  	s31 =	simm.s32 $_size_execute0_lowered;
	s9 =	sadd.s32 s9, s10;
	[dreg:$0x0] =	wrdreg $0x0  }
0xac: {  	s10 =	sshll.u32 s31, $0x1;
	[dreg:$0x2] =	wrdreg s9  }
0xad: {  	[dreg:$0x3] =	wrdreg s10  }
0xae: {  	[dreg:$0x4] =	wrdreg $0xC0  }
0xaf: {  	_ =	task [dreg:s2], $0x5FFFF  }
0xb0: {  	[dreg:$0x1] =	wrdreg $0xFFFFFFFF  }
0xb1: {  	[dreg:$0x0] =	wrdreg $0x60  }
0xb2: {  	[dreg:$0x2] =	wrdreg s6  }
0xb3: {  	[dreg:$0x3] =	wrdreg s7  }
0xb4: {  	[dreg:$0x4] =	wrdreg s8  }
0xb5: {  	[dreg:$0x5] =	wrdreg $0x0  }
0xb6: {  	s4 =	sadd.s32 s24, s4;
	[dreg:$0x6] =	wrdreg $0x2000  }
0xb7: {  	s3 =	sadd.s32 s24, s5;
	s9 =	simm.s32 $0xB;
	[dreg:$0x7] =	wrdreg $0x9  }
0xb8: {  	s10 =	simm.s32 $0x400;
	s8 =	simm.s32 $0xA;
	_ =	task.clear_ibuf [dreg:s2], $0x8FFFF  }
0xb9: {  	[spmem:s2], [sflag:s8] =	dma.local [hbm:s4], $0x400  }
0xba: {  	[spmem:s10], [sflag:s9] =	dma.local [hbm:s3], $0x400  }
0xbb: {  	_ =	swait.ge [sflag:s8], $0x400  }
0xbc: {  	[sflag:s8] =	ssyncset.done $0x0  }
0xbd: {  	[sflag:s8] =	ssyncadd.s32 $0xFFFFFC00;
	_ =	sdelay $0x2  }
0xbe: {  	_ =	swait.ge [sflag:s9], $0x400  }
0xbf: {  	[sflag:s9] =	ssyncset.done $0x0  }
0xc0: {  	[sflag:s9] =	ssyncadd.s32 $0xFFFFFC00  }
0xc1: {  	s11 =	sld [smem:$0x0];
	_ =	sdelay $0x2  }
0xc2: {  	s12 =	sshrl.u32 s1, $0x2  }
0xc3: {  	s13 =	sand.u32 $0x3, s1;
	s3 =	sadd.s32 s12, s11  }
0xc4: {  	s5 =	sshll.u32 s13, $0xE;
	s3 =	sshll.u32 s3, $0x11  }
0xc5: {  	s3 =	sor.u32 s3, s5  }
0xc6: {  	s5 =	sor.u32 $0x11C01, s3  }
0xc7: {  	s14 =	sor.u32 $0x11C41, s3;
	[sflag:s5] =	ssyncadd.remote.s32 $0x1  }
0xc8: {  	s15 =	sor.u32 $0x11C81, s3;
	[sflag:s14] =	ssyncadd.remote.s32 $0x1  }
0xc9: {  	s16 =	sor.u32 $0x11CC1, s3;
	[sflag:s15] =	ssyncadd.remote.s32 $0x1  }
0xca: {  	s17 =	sor.u32 $0x11D01, s3;
	[sflag:s16] =	ssyncadd.remote.s32 $0x1  }
0xcb: {  	s18 =	sor.u32 $0x11D41, s3;
	[sflag:s17] =	ssyncadd.remote.s32 $0x1  }
0xcc: {  	s19 =	sor.u32 $0x11D81, s3;
	[sflag:s18] =	ssyncadd.remote.s32 $0x1  }
0xcd: {  	s20 =	sor.u32 $0x11DC1, s3;
	[sflag:s19] =	ssyncadd.remote.s32 $0x1  }
0xce: {  	s21 =	sor.u32 $0x11E01, s3;
	[sflag:s20] =	ssyncadd.remote.s32 $0x1  }
0xcf: {  	s22 =	sor.u32 $0x11E41, s3;
	[sflag:s21] =	ssyncadd.remote.s32 $0x1  }
0xd0: {  	s23 =	sor.u32 $0x11E81, s3;
	[sflag:s22] =	ssyncadd.remote.s32 $0x1  }
0xd1: {  	s24 =	sor.u32 $0x11EC1, s3;
	[sflag:s23] =	ssyncadd.remote.s32 $0x1  }
0xd2: {  	s25 =	sor.u32 $0x11F01, s3;
	[sflag:s24] =	ssyncadd.remote.s32 $0x1  }
0xd3: {  	s26 =	sor.u32 $0x11F41, s3;
	[sflag:s25] =	ssyncadd.remote.s32 $0x1  }
0xd4: {  	s28 =	sor.u32 $0x11F81, s3;
	[sflag:s26] =	ssyncadd.remote.s32 $0x1  }
0xd5: {  	s3 =	sor.u32 $0x11FC1, s3;
	[sflag:s28] =	ssyncadd.remote.s32 $0x1  }
0xd6: {  	[sflag:s3] =	ssyncadd.remote.s32 $0x1  }
0xd7: {  	_ =	strace $0x90000046  }
0xd8: {  	s29 =	simm.s32 $0x9;
	_ =	strace $0x80000048  }
0xd9: {  	_ =	swait.ge [sflag:s29], $0x1  }
0xda: {  	[sflag:s29] =	ssyncadd.s32 $0xFFFFFFFF  }
0xdb: {  	_ =	strace $0x90000048  }
0xdc: {  	_ =	sfence  }
0xdd: {  	s30 =	sld [smem:$0x0];
	_ =	sdelay $0x2  }
0xde: {  	s1 =	sshll.u32 s1, $0xD  }
0xdf: {  	s1 =	sand.u32 $0x4000, s1;
	s3 =	sadd.s32 s12, s30  }
0xe0: {  	s0 =	sor.u32 s1, s0;
	s31 =	sshll.u32 s3, $0x11  }
0xe1: {  	s0 =	sor.u32 s31, s0  }
0xe2: {  	s0 =	sadd.s32 $0x8F2B, s0  }
0xe3: {  	[sflag:s0] =	ssyncadd.remote.s32 $0x1  }
0xe4: {  	_ =	sfence.sel $0xFFFF  }
0xe5: {  	[dreg:$0x0] =	wrdreg $0xFFFFFFFF;
	(pc) =	sbr.abs _section_cstart, $3  }
0xe6: {  	[dreg:$0x1] =	wrdreg $0xFFFFFFFF  }
0xe7: {  	_ =	task.clear_ibuf [dreg:s2], $0x2FFFF;
	_ =	strace $0x9FFFFFFF  }
0xe8: {  	(tm) =	ssettm $0x7FFFFFFF  }
0xe9: {  	_ =	shalt  }
tec
execute0_lowered:
.L_overlay_start_1:
0x0: {  	(tag) =	ssettag $0x1  }
0x1: {  	s1 =	rddreg [dreg:$0x0]  }
0x2: {  	s2 =	rddreg [dreg:$0x1]  }
0x3: {  	s7 =	rddreg [dreg:$0x2]  }
0x4: {  	s5 =	rddreg [dreg:$0x3]  }
0x5: {  	s6 =	rddreg [dreg:$0x4];
	s3 =	srdreg.scid  }
0x6: {  	s0 =	rddreg [dreg:$0x5];
	s4 =	simm.s32 $0x0;
	s12 =	simm.s32 $0x200  }
0x7: {  	s13 =	simm.s32 $0x800;
	s14 =	simm.s32 $0x600;
	s15 =	simm.s32 $0xA00  }
0x8: {  	s16 =	simm.s32 $0x2;
	s17 =	simm.s32 $0x3;
	s18 =	simm.s32 $0x0  }
0x9: {  	s8 =	sand.u32 $0x1, s3;
	[smem:$0x7FF] =	sst s4;
	s3 =	stileid.u32  }
0xa: {  	s9 =	ssub.s32 $0x2, s8;
	s8 =	sshll.u32 s8, $0xD;
	s11 =	sshll.u32 s3, $0x9  }
0xb: {  	_ =	strace $0x80000047;
	s10 =	sshrl.u32 s9, $0x1;
	s8 =	sor.u32 s11, s8  }
0xc: {  	s5 =	sadd.s32 s11, s5;
	s6 =	sadd.s32 s11, s6;
	s11 =	simm.s32 $0x4  }
0xd: {  	s9 =	ssub.s32 s9, s10;
	s8 =	sshrl.u32 s8, $0x3;
	s10 =	simm.s32 $0x400  }
0xe: {  	s7 =	sadd.s32 s7, s8;
	s8 =	smax.u32 s9, $0x1;
	s9 =	simm.s32 $0x1  }
.LBB2_1:
0xf: {  	_ =	swait.ge [sflag:s9], $0x1  }
0x10: {  	[sflag:s9] =	ssyncset.done $0x0  }
0x11: {  	[sflag:s9] =	ssyncadd.s32 $0xFFFFFFFF  }
0x12: {  	[tilespmem:s10], [sflag:$0x4] =	stream.linear.gather [spmem:s5], $0x200, $0x38;
	[tilespmem:$0xC00] =	vst v63  }
0x13: {  	_ =	swait.ge [sflag:s11], $0x200  }
0x14: {  	[sflag:s11] =	ssyncset.done $0x0  }
0x15: {  	[sflag:s11] =	ssyncadd.s32 $0xFFFFFE00  }
0x16: {  	[tilespmem:s13], [sflag:$0x2] =	stream.indirect.gather [hbm4b:s1+s12], $0x1, s10, s12, $0xb8;
	[tilespmem:$0xC00] =	vst v63  }
0x17: {  	_ = 	snop  }
0x18: {  	[tilespmem:s14], [sflag:$0x4] =	stream.linear.gather [spmem:s6], $0x200, $0x38;
	[tilespmem:$0xC00] =	vst v63  }
0x19: {  	_ =	swait.ge [sflag:s11], $0x200  }
0x1a: {  	[sflag:s11] =	ssyncset.done $0x0  }
0x1b: {  	[sflag:s11] =	ssyncadd.s32 $0xFFFFFE00  }
0x1c: {  	[tilespmem:s15], [sflag:$0x3] =	stream.indirect.gather [hbm4b:s2+s12], $0x1, s14, s12, $0xb8;
	[tilespmem:$0xC00] =	vst v63  }
0x1d: {  	_ =	swait.ge [sflag:s16], $0x200  }
0x1e: {  	[sflag:s16] =	ssyncset.done $0x0  }
0x1f: {  	[sflag:s16] =	ssyncadd.s32 $0xFFFFFE00  }
0x20: {  	_ =	swait.ge [sflag:s17], $0x200  }
0x21: {  	[sflag:s17] =	ssyncset.done $0x0  }
0x22: {  	s19 =	simm.s32 $0x0;
	[sflag:s17] =	ssyncadd.s32 $0xFFFFFE00  }
0x23: {  	s20 =	simm.s32 $0x40;
	v0 =	vld [tilespmem:s19+$0xA00]  }
.LBB2_2:
0x24: {  	p0 =	sne.s32 s20, $0x7C0;
	v1 =	vld [tilespmem:s19+$0x800];
	_ =	sdelay $0x4  }
.Ltmp0:
0x25: {  	v0 =	vadd.f32 v0, v1;
	(pc) =	sbr.rel @p0 .LBB2_2-.Ltmp0, $4  }
0x26: {  	_ = 	snop  }
0x27: {  	v1 =	vadd.f32 $3.500000000e+00, v0  }
0x28: {  	s21 =	sshra.s32 s20, $0x2  }
0x29: {  	s20 =	sadd.s32 $0x40, s20;
	v0 =	vld [tilespmem:s21+$0xA00];
	[tilespmem:s19+$0x800] =	vst v1;
	s19 =	smov.u32 s21  }
0x2a: {  	v1 =	vld [tilespmem:s19+$0x800];
	_ =	sdelay $0x4  }
0x2b: {  	v0 =	vadd.f32 v0, v1;
	_ =	sdelay $0x1  }
0x2c: {  	s18 =	sadd.s32 $0x1, s18;
	v0 =	vadd.f32 $3.500000000e+00, v0  }
0x2d: {  	p0 =	sne.s32 s18, s8  }
.Ltmp1:
0x2e: {  	[tilespmem:s19+$0x800] =	vst v0;
	(pc) =	sbr.rel @p0 .LBB2_1-.Ltmp1, $4  }
0x2f: {  	[hbm4b:s7+s4] =	stream.linear.scatter [tilespmem:s13], [sflag:$0x4], $0x200, $0x38;
	[tilespmem:$0xC00] =	vst v63  }
0x30: {  	_ =	swait.ge [sflag:s11], $0x200  }
0x31: {  	[sflag:s11] =	ssyncset.done $0x0  }
0x32: {  	[sflag:s11] =	ssyncadd.s32 $0xFFFFFE00  }
0x33: {  	_ =	sfence.sel $0x180000  }
0x34: {  	[bflag:$0x0] =	sbarrier.arrive $0xFFFF  }
0x35: {  	p0 =	sne.s32 s3, $0x0;
	_ =	strace $0x90000047  }
0x36: {  	s0 =	sadd.s32 @!p0 $0x100000, s0;
	[bflag:$0x2] =	sbarrier.arrive $0xFFFF  }
0x37: {  	[sflag:s0] =	ssyncadd.tile.s32 @!p0 $0x1;
	_ =	shalt  }
.Lfunc_end2:
_tile_overlayer_lowered:
.L_overlay_start_2:
0x38: {  	(tag) =	ssettag $0x2  }
0x39: {  	s0 =	rddreg [dreg:$0x0];
	s2 =	stileid.u32  }
0x3a: {  	s1 =	rddreg [dreg:$0x1];
	p0 =	sne.s32 s2, $0x0  }
0x3b: {  	s3 =	rddreg [dreg:$0x2];
	[bflag:$0x3] =	sbarrier.arrive $0xFFFF;
	s2 =	simm.s32 @!p0 $0x1C04  }
0x3c: {  	[timem:s3], [sflag:s2] =	dma.local @!p0 [hbm:s0], s1  }
0x3d: {  	s0 =	simm.s32 @!p0 $0x4  }
0x3e: {  	_ =	swait.ge @!p0 [sflag:s0], s1  }
0x3f: {  	s1 =	ssub.s32 @!p0 $0x0, s1;
	[sflag:s0] =	ssyncset.done @!p0 $0x0  }
0x40: {  	[sflag:s0] =	ssyncadd.s32 @!p0 s1  }
0x41: {  	[bflag:$0x3] =	sbarrier.arrive $0xFFFF  }
0x42: {  	_ =	shalt  }

</sc_bundles>
